<compile_context>
chip_gen: v7x
topology: tpu7x:2x2x1
jax: 0.10.2.dev20260603
libtpu: 0.0.44.dev20260713+nightly
codegen_flags: <defaults>
</compile_context>

<pallas_src>
import functools

import jax
import jax.numpy as jnp
from jax import lax
from jax.experimental import pallas as pl
from jax.experimental.pallas import tpu as pltpu
from jax.experimental.pallas import tpu_sc as plsc

N = 100000
D = 128
G = 128
H = 64

B = 5000
NB = N // B

def _stats_body(x_ref, b_ref, w1_ref, b1_ref, w2_ref, b2_ref, wc_ref,
                bc_ref, ones_ref, c0_ref, out_ref, d_ref, s_ref):
    i = pl.program_id(0)

    @pl.when(i == 0)
    def _():
        d_ref[...] = jnp.zeros((G, 1), jnp.float32)
        s_ref[...] = jnp.zeros((G, D), jnp.float32)

    xb_bf = x_ref[...].astype(jnp.bfloat16)
    bb = b_ref[0]

    h = jnp.tanh(jnp.dot(xb_bf, w1_ref[...], preferred_element_type=jnp.float32)
                 + b1_ref[...])
    s_row = lax.dot_general(w2_ref[...], h, (((0,), (1,)), ((), ())),
                            preferred_element_type=jnp.float32) + b2_ref[...]

    e_row = jnp.exp(s_row - c0_ref[0, 0]).astype(jnp.bfloat16)
    bb_bf = bb.astype(jnp.bfloat16)

    gcol = lax.broadcasted_iota(jnp.int32, (G, 1), 0).astype(jnp.bfloat16)
    e = jnp.where(gcol == bb_bf, e_row, jnp.bfloat16(0))
    sb = lax.dot_general(e, xb_bf, (((1,), (0,)), ((), ())),
                         preferred_element_type=jnp.float32)
    bd = lax.dot_general(e, ones_ref[...], (((1,), (0,)), ((), ())),
                         preferred_element_type=jnp.float32)
    d_ref[...] = d_ref[...] + bd
    s_ref[...] = s_ref[...] + sb

    @pl.when(i == NB - 1)
    def _():
        dd = d_ref[...]
        r = 1.0 / jnp.where(dd > 0, dd, 1.0)
        ge = s_ref[...] * r
        out_ref[...] = jnp.dot(ge, wc_ref[...],
                               preferred_element_type=jnp.float32) + bc_ref[...]


_context_call = pl.pallas_call(
    _stats_body,
    grid=(NB,),
    in_specs=[
        pl.BlockSpec((B, D), lambda i: (i, 0)),
        pl.BlockSpec((1, 1, B), lambda i: (i, 0, 0)),
        pl.BlockSpec((D, H), lambda i: (0, 0)),
        pl.BlockSpec((1, H), lambda i: (0, 0)),
        pl.BlockSpec((H, 1), lambda i: (0, 0)),
        pl.BlockSpec((1, 1), lambda i: (0, 0)),
        pl.BlockSpec((D, D), lambda i: (0, 0)),
        pl.BlockSpec((1, D), lambda i: (0, 0)),
        pl.BlockSpec((B, 1), lambda i: (0, 0)),
        pl.BlockSpec((1, 1), lambda i: (0, 0)),
    ],
    out_specs=pl.BlockSpec((G, D), lambda i: (0, 0)),
    out_shape=jax.ShapeDtypeStruct((G, D), jnp.float32),
    scratch_shapes=[
        pltpu.VMEM((G, 1), jnp.float32),
        pltpu.VMEM((G, D), jnp.float32),
    ],
    compiler_params=pltpu.CompilerParams(
        dimension_semantics=("arbitrary",)),
)


NC, NS = 2, 16
NW = NC * NS
C = 80
NCHUNK = N // C
_CPW = -(-NCHUNK // NW)
NCHUNK_PAD = NW * _CPW
_KF = 5
_SUPER = _CPW // _KF
_SR = _KF * C

@functools.cache
def _gather_ctx_call():
    mesh = plsc.VectorSubcoreMesh(core_axis_name="c", subcore_axis_name="s",
                                  num_cores=NC, num_subcores=NS)

    @functools.partial(
        pl.kernel,
        out_type=jax.ShapeDtypeStruct((N, D), jnp.float32),
        mesh=mesh,
        scratch_types=[
            pltpu.VMEM((_CPW, C), jnp.int32),
            pltpu.VMEM((_SR, D), jnp.float32),
            pltpu.VMEM_SHARED((G, D), jnp.float32),
            pltpu.SemaphoreType.DMA,
        ],
    )
    def _gather_ctx(ctx_hbm, idx_hbm, out_hbm, idx_v, rows_v, tbl_sh, sem):
        wid = lax.axis_index("s") * NC + lax.axis_index("c")
        start = wid * _CPW
        nsuper = jnp.clip(NCHUNK - start, 0, _CPW) // _KF

        @pl.when(lax.axis_index("s") == 0)
        def _():
            pltpu.sync_copy(ctx_hbm, tbl_sh)

        pltpu.sync_copy(idx_hbm.at[pl.ds(start, _CPW)], idx_v)
        plsc.subcore_barrier()

        def body(s):
            @pl.when(s < nsuper)
            def _():
                copies = []
                for k in range(_KF):
                    copies.append(pltpu.async_copy(
                        tbl_sh.at[idx_v.at[s * _KF + k]],
                        rows_v.at[pl.ds(k * C, C)], sem))
                for cp in copies:
                    cp.wait()
                base = (start + s * _KF) * C
                pltpu.sync_copy(rows_v, out_hbm.at[pl.ds(base, _SR)])

        pl.loop(0, _SUPER)(body)

    return _gather_ctx


def kernel(x, batch, W1, b1, W2, b2, Wc, bc):
    batch_blk = batch.reshape(NB, 1, B)
    c0 = (jnp.abs(b2[0]) + jnp.sum(jnp.abs(W2))).reshape(1, 1)
    context = _context_call(x, batch_blk, W1.astype(jnp.bfloat16),
                            b1.reshape(1, H),
                            W2, b2.reshape(1, 1), Wc, bc.reshape(1, D),
                            jnp.ones((B, 1), jnp.bfloat16), c0)
    idx2d = jnp.zeros((NCHUNK_PAD, C), jnp.int32).at[:NCHUNK].set(
        batch.reshape(NCHUNK, C))
    return _gather_ctx_call()(context, idx2d)

# --- scband reference (transcript-rebuilt; emitter-appended) ---
"""Pipeline reference for scband-global-context-injection-81432579932852 (READ-ONLY COPY).

The authoritative reference and input builder live on the scoring server;
editing this copy changes nothing except your own understanding.
"""

import jax, jax.numpy as jnp
import numpy as np

N = 100000
D = 128
G = 128

def setup_inputs(seed: int = 0) -> dict:
    key = jax.random.key(seed)
    ks = jax.random.split(key, 8)
    x = jax.random.normal(ks[0], (N, D), dtype=jnp.float32)
    batch = jnp.sort(jax.random.randint(ks[1], (N,), 0, G)).astype(jnp.int32)
    H = D // 2
    W1 = jax.random.normal(ks[2], (D, H), dtype=jnp.float32) * (1.0 / np.sqrt(D))
    b1 = jnp.zeros((H,), dtype=jnp.float32)
    W2 = jax.random.normal(ks[3], (H, 1), dtype=jnp.float32) * (1.0 / np.sqrt(H))
    b2 = jnp.zeros((1,), dtype=jnp.float32)
    Wc = jax.random.normal(ks[4], (D, D), dtype=jnp.float32) * (1.0 / np.sqrt(D))
    bc = jnp.zeros((D,), dtype=jnp.float32)
    return {"x": x, "batch": batch, "W1": W1, "b1": b1, "W2": W2, "b2": b2, "Wc": Wc, "bc": bc}

def reference(x, batch, W1, b1, W2, b2, Wc, bc):
    # attention gate: Linear -> Tanh -> Linear
    h = jnp.tanh(x @ W1 + b1)
    scores = (h @ W2 + b2)[:, 0]  # [N]
    # per-graph softmax (softmax within each segment)
    m = jax.lax.stop_gradient(jax.ops.segment_max(scores, batch, num_segments=G))
    e = jnp.exp(scores - m[batch])
    denom = jax.ops.segment_sum(e, batch, num_segments=G)
    w = (e / denom[batch])[:, None]  # [N,1]
    weighted = x * w
    # global_mean_pool(weighted, batch) * counts == segment_sum(weighted, batch)
    graph_emb = jax.ops.segment_sum(weighted, batch, num_segments=G)  # [G, D]
    context = graph_emb @ Wc + bc  # [G, D]
    node_context = context[batch]  # [N, D] gather broadcast back to nodes
    return node_context

if __name__ == "__main__":
    import jax
    _d = setup_inputs()
    print(jax.jit(kernel)(*tuple(_d.values())))

</pallas_src>

<mosaic_0001>
#map = affine_map<(d0, d1) -> (0, 0)>
module attributes {stable_mosaic.version = 14 : i64} {
  func.func @_gather_ctx(%arg0: i32, %arg1: i32, %arg2: memref<128x128xf32, #tpu.memory_space<hbm>>, %arg3: memref<1280x80xi32, #tpu.memory_space<hbm>>, %arg4: memref<100000x128xf32, #tpu.memory_space<hbm>>, %arg5: memref<40x80xi32, #tpu.memory_space<vmem>>, %arg6: memref<400x128xf32, #tpu.memory_space<vmem>>, %arg7: memref<128x128xf32, #tpu.memory_space<vmem_shared>>, %arg8: memref<!tpu.dma_semaphore, #tpu.memory_space<semaphore_mem>>) attributes {dimension_semantics = [#tpu.dimension_semantics<core_parallel>, #tpu.dimension_semantics<subcore_parallel>], iteration_bounds = array<i64: 2, 16>, scalar_prefetch = 0 : i64, scratch_operands = 4 : i64, tpu.core_type = #tpu.core_type<sc_vector_subcore>, window_params = [{transform_indices = #map}, {transform_indices = #map}, {transform_indices = #map}]} {
    %mul3A = arith.constant 2 : i32
    %mul3A_0 = arith.muli %arg1, %mul3A : i32
    %add3A = arith.addi %mul3A_0, %arg0 : i32
    %mul3A_1 = arith.constant 40 : i32
    %mul3A_2 = arith.muli %add3A, %mul3A_1 : i32
    %sub3A = arith.constant 1250 : i32
    %sub3A_3 = arith.subi %sub3A, %mul3A_2 : i32
    %jit3A = arith.constant 0 : i32
    %jit3A_4 = arith.constant 40 : i32
    %max3A = arith.maxsi %jit3A, %sub3A_3 : i32
    %min3A = arith.minsi %jit3A_4, %max3A : i32
    %jit3A_5 = arith.constant 5 : i32
    %div3A = arith.divsi %min3A, %jit3A_5 : i32
    %sign3A = arith.constant 0 : i32
    %sign3A_6 = arith.cmpi sgt, %min3A, %sign3A : i32
    %sign3A_7 = arith.extui %sign3A_6 : i1 to i32
    %sign3A_8 = arith.constant 0 : i32
    %sign3A_9 = arith.cmpi slt, %min3A, %sign3A_8 : i32
    %sign3A_10 = arith.extui %sign3A_9 : i1 to i32
    %sign3A_11 = arith.subi %sign3A_7, %sign3A_10 : i32
    %sign3A_12 = arith.constant 0 : i32
    %sign3A_13 = arith.cmpi sgt, %jit3A_5, %sign3A_12 : i32
    %sign3A_14 = arith.extui %sign3A_13 : i1 to i32
    %sign3A_15 = arith.constant 0 : i32
    %sign3A_16 = arith.cmpi slt, %jit3A_5, %sign3A_15 : i32
    %sign3A_17 = arith.extui %sign3A_16 : i1 to i32
    %sign3A_18 = arith.subi %sign3A_14, %sign3A_17 : i32
    %ne3A = arith.cmpi ne, %sign3A_11, %sign3A_18 : i32
    %rem3A = arith.remsi %min3A, %jit3A_5 : i32
    %ne3A_19 = arith.constant 0 : i32
    %ne3A_20 = arith.cmpi ne, %rem3A, %ne3A_19 : i32
    %and3A = arith.andi %ne3A, %ne3A_20 : i1
    %sub3A_21 = arith.constant 1 : i32
    %sub3A_22 = arith.subi %div3A, %sub3A_21 : i32
    %select_n3A = arith.select %and3A, %sub3A_22, %div3A : i32
    %eq3A = arith.constant 0 : i32
    %eq3A_23 = arith.cmpi eq, %arg1, %eq3A : i32
    %convert_element_type3A = arith.extui %eq3A_23 : i1 to i32
    %cond3A = arith.constant 0 : i32
    %cond3A_24 = arith.cmpi ne, %convert_element_type3A, %cond3A : i32
    scf.if %cond3A_24 {
      "tpu.region"() ({
        %run_scoped3A = tpu.sem_alloc : memref<!tpu.dma_semaphore, #tpu.memory_space<semaphore_mem>>
        tpu.enqueue_dma source(%arg2 : memref<128x128xf32, #tpu.memory_space<hbm>>) target(%arg7 : memref<128x128xf32, #tpu.memory_space<vmem_shared>>) target_semaphore(%run_scoped3A : memref<!tpu.dma_semaphore, #tpu.memory_space<semaphore_mem>>)
        tpu.wait_dma2 semaphore(%run_scoped3A : memref<!tpu.dma_semaphore, #tpu.memory_space<semaphore_mem>>) src(%arg2 : memref<128x128xf32, #tpu.memory_space<hbm>>) dst(%arg7 : memref<128x128xf32, #tpu.memory_space<vmem_shared>>)
        tpu.yield
      }) : () -> ()
    } else {
    }
    "tpu.region"() ({
      %run_scoped3A = tpu.sem_alloc : memref<!tpu.dma_semaphore, #tpu.memory_space<semaphore_mem>>
      %dma_start3A = arith.constant 0 : i32
      %dma_start3A_29 = tpu.memref_slice %arg3[%mul3A_2, %dma_start3A] : memref<1280x80xi32, #tpu.memory_space<hbm>> -> memref<40x80xi32, #tpu.memory_space<hbm>>
      %dma_start3A_30 = arith.constant 0 : i32
      %dma_start3A_31 = tpu.memref_slice %arg3[%mul3A_2, %dma_start3A_30] : memref<1280x80xi32, #tpu.memory_space<hbm>> -> memref<40x80xi32, #tpu.memory_space<hbm>>
      tpu.enqueue_dma source(%dma_start3A_31 : memref<40x80xi32, #tpu.memory_space<hbm>>) target(%arg5 : memref<40x80xi32, #tpu.memory_space<vmem>>) target_semaphore(%run_scoped3A : memref<!tpu.dma_semaphore, #tpu.memory_space<semaphore_mem>>)
      %dma_wait3A = arith.constant 0 : i32
      %dma_wait3A_32 = tpu.memref_slice %arg3[%mul3A_2, %dma_wait3A] : memref<1280x80xi32, #tpu.memory_space<hbm>> -> memref<40x80xi32, #tpu.memory_space<hbm>>
      %dma_wait3A_33 = arith.constant 0 : i32
      %dma_wait3A_34 = tpu.memref_slice %arg3[%mul3A_2, %dma_wait3A_33] : memref<1280x80xi32, #tpu.memory_space<hbm>> -> memref<40x80xi32, #tpu.memory_space<hbm>>
      tpu.wait_dma2 semaphore(%run_scoped3A : memref<!tpu.dma_semaphore, #tpu.memory_space<semaphore_mem>>) src(%dma_wait3A_34 : memref<40x80xi32, #tpu.memory_space<hbm>>) dst(%arg5 : memref<40x80xi32, #tpu.memory_space<vmem>>)
      tpu.yield
    }) : () -> ()
    %barrier3A = arith.constant 0 : index
    tpu.barrier barrier_id(%barrier3A)
    %scan3A = arith.constant 0 : i32
    %scan3A_25 = arith.constant 8 : i32
    %scan3A_26 = arith.addi %scan3A, %scan3A_25 : i32
    %scan3A_27 = arith.constant 1 : i32
    scf.for %scan3A_29 = %scan3A to %scan3A_26 step %scan3A_27  : i32 {
      %mul3A_30 = arith.constant 1 : i32
      %mul3A_31 = arith.muli %scan3A_29, %mul3A_30 : i32
      %add3A_32 = arith.constant 0 : i32
      %add3A_33 = arith.addi %add3A_32, %mul3A_31 : i32
      %lt3A = arith.cmpi slt, %add3A_33, %select_n3A : i32
      %convert_element_type3A_34 = arith.extui %lt3A : i1 to i32
      %cond3A_35 = arith.constant 0 : i32
      %cond3A_36 = arith.cmpi ne, %convert_element_type3A_34, %cond3A_35 : i32
      scf.if %cond3A_36 {
        %mul3A_37 = arith.constant 5 : i32
        %mul3A_38 = arith.muli %add3A_33, %mul3A_37 : i32
        %add3A_39 = arith.constant 0 : i32
        %add3A_40 = arith.addi %mul3A_38, %add3A_39 : i32
        %dma_start3A = arith.constant 0 : i32
        %dma_start3A_41 = arith.constant 0 : i32
        %dma_start3A_42 = tpu.memref_slice %arg6[%dma_start3A, %dma_start3A_41] : memref<400x128xf32, #tpu.memory_space<vmem>> -> memref<80x128xf32, #tpu.memory_space<vmem>>
        %dma_start3A_43 = arith.constant 0 : i32
        %dma_start3A_44 = tpu.memref_slice %arg5[%add3A_40, %dma_start3A_43] : memref<40x80xi32, #tpu.memory_space<vmem>> -> memref<1x80xi32, #tpu.memory_space<vmem>>
        %dma_start3A_45 = tpu.memref_squeeze %dma_start3A_44 : memref<1x80xi32, #tpu.memory_space<vmem>> -> memref<80xi32, #tpu.memory_space<vmem>>
        %dma_start3A_46 = arith.constant 0 : i32
        %dma_start3A_47 = arith.constant 0 : i32
        %dma_start3A_48 = tpu.memref_slice %arg7[%dma_start3A_46, %dma_start3A_47] : memref<128x128xf32, #tpu.memory_space<vmem_shared>> -> memref<128x128xf32, #tpu.memory_space<vmem_shared>>
        tpu.enqueue_indirect_dma source(%dma_start3A_48 : memref<128x128xf32, #tpu.memory_space<vmem_shared>>) target(%dma_start3A_42 : memref<80x128xf32, #tpu.memory_space<vmem>>) offsets(%dma_start3A_45 : memref<80xi32, #tpu.memory_space<vmem>>) semaphore(%arg8 : memref<!tpu.dma_semaphore, #tpu.memory_space<semaphore_mem>>)
        %mul3A_49 = arith.constant 5 : i32
        %mul3A_50 = arith.muli %add3A_33, %mul3A_49 : i32
        %add3A_51 = arith.constant 1 : i32
        %add3A_52 = arith.addi %mul3A_50, %add3A_51 : i32
        %dma_start3A_53 = arith.constant 80 : i32
        %dma_start3A_54 = arith.constant 0 : i32
        %dma_start3A_55 = tpu.memref_slice %arg6[%dma_start3A_53, %dma_start3A_54] : memref<400x128xf32, #tpu.memory_space<vmem>> -> memref<80x128xf32, #tpu.memory_space<vmem>>
        %dma_start3A_56 = arith.constant 0 : i32
        %dma_start3A_57 = tpu.memref_slice %arg5[%add3A_52, %dma_start3A_56] : memref<40x80xi32, #tpu.memory_space<vmem>> -> memref<1x80xi32, #tpu.memory_space<vmem>>
        %dma_start3A_58 = tpu.memref_squeeze %dma_start3A_57 : memref<1x80xi32, #tpu.memory_space<vmem>> -> memref<80xi32, #tpu.memory_space<vmem>>
        %dma_start3A_59 = arith.constant 0 : i32
        %dma_start3A_60 = arith.constant 0 : i32
        %dma_start3A_61 = tpu.memref_slice %arg7[%dma_start3A_59, %dma_start3A_60] : memref<128x128xf32, #tpu.memory_space<vmem_shared>> -> memref<128x128xf32, #tpu.memory_space<vmem_shared>>
        tpu.enqueue_indirect_dma source(%dma_start3A_61 : memref<128x128xf32, #tpu.memory_space<vmem_shared>>) target(%dma_start3A_55 : memref<80x128xf32, #tpu.memory_space<vmem>>) offsets(%dma_start3A_58 : memref<80xi32, #tpu.memory_space<vmem>>) semaphore(%arg8 : memref<!tpu.dma_semaphore, #tpu.memory_space<semaphore_mem>>)
        %mul3A_62 = arith.constant 5 : i32
        %mul3A_63 = arith.muli %add3A_33, %mul3A_62 : i32
        %add3A_64 = arith.constant 2 : i32
        %add3A_65 = arith.addi %mul3A_63, %add3A_64 : i32
        %dma_start3A_66 = arith.constant 160 : i32
        %dma_start3A_67 = arith.constant 0 : i32
        %dma_start3A_68 = tpu.memref_slice %arg6[%dma_start3A_66, %dma_start3A_67] : memref<400x128xf32, #tpu.memory_space<vmem>> -> memref<80x128xf32, #tpu.memory_space<vmem>>
        %dma_start3A_69 = arith.constant 0 : i32
        %dma_start3A_70 = tpu.memref_slice %arg5[%add3A_65, %dma_start3A_69] : memref<40x80xi32, #tpu.memory_space<vmem>> -> memref<1x80xi32, #tpu.memory_space<vmem>>
        %dma_start3A_71 = tpu.memref_squeeze %dma_start3A_70 : memref<1x80xi32, #tpu.memory_space<vmem>> -> memref<80xi32, #tpu.memory_space<vmem>>
        %dma_start3A_72 = arith.constant 0 : i32
        %dma_start3A_73 = arith.constant 0 : i32
        %dma_start3A_74 = tpu.memref_slice %arg7[%dma_start3A_72, %dma_start3A_73] : memref<128x128xf32, #tpu.memory_space<vmem_shared>> -> memref<128x128xf32, #tpu.memory_space<vmem_shared>>
        tpu.enqueue_indirect_dma source(%dma_start3A_74 : memref<128x128xf32, #tpu.memory_space<vmem_shared>>) target(%dma_start3A_68 : memref<80x128xf32, #tpu.memory_space<vmem>>) offsets(%dma_start3A_71 : memref<80xi32, #tpu.memory_space<vmem>>) semaphore(%arg8 : memref<!tpu.dma_semaphore, #tpu.memory_space<semaphore_mem>>)
        %mul3A_75 = arith.constant 5 : i32
        %mul3A_76 = arith.muli %add3A_33, %mul3A_75 : i32
        %add3A_77 = arith.constant 3 : i32
        %add3A_78 = arith.addi %mul3A_76, %add3A_77 : i32
        %dma_start3A_79 = arith.constant 240 : i32
        %dma_start3A_80 = arith.constant 0 : i32
        %dma_start3A_81 = tpu.memref_slice %arg6[%dma_start3A_79, %dma_start3A_80] : memref<400x128xf32, #tpu.memory_space<vmem>> -> memref<80x128xf32, #tpu.memory_space<vmem>>
        %dma_start3A_82 = arith.constant 0 : i32
        %dma_start3A_83 = tpu.memref_slice %arg5[%add3A_78, %dma_start3A_82] : memref<40x80xi32, #tpu.memory_space<vmem>> -> memref<1x80xi32, #tpu.memory_space<vmem>>
        %dma_start3A_84 = tpu.memref_squeeze %dma_start3A_83 : memref<1x80xi32, #tpu.memory_space<vmem>> -> memref<80xi32, #tpu.memory_space<vmem>>
        %dma_start3A_85 = arith.constant 0 : i32
        %dma_start3A_86 = arith.constant 0 : i32
        %dma_start3A_87 = tpu.memref_slice %arg7[%dma_start3A_85, %dma_start3A_86] : memref<128x128xf32, #tpu.memory_space<vmem_shared>> -> memref<128x128xf32, #tpu.memory_space<vmem_shared>>
        tpu.enqueue_indirect_dma source(%dma_start3A_87 : memref<128x128xf32, #tpu.memory_space<vmem_shared>>) target(%dma_start3A_81 : memref<80x128xf32, #tpu.memory_space<vmem>>) offsets(%dma_start3A_84 : memref<80xi32, #tpu.memory_space<vmem>>) semaphore(%arg8 : memref<!tpu.dma_semaphore, #tpu.memory_space<semaphore_mem>>)
        %mul3A_88 = arith.constant 5 : i32
        %mul3A_89 = arith.muli %add3A_33, %mul3A_88 : i32
        %add3A_90 = arith.constant 4 : i32
        %add3A_91 = arith.addi %mul3A_89, %add3A_90 : i32
        %dma_start3A_92 = arith.constant 320 : i32
        %dma_start3A_93 = arith.constant 0 : i32
        %dma_start3A_94 = tpu.memref_slice %arg6[%dma_start3A_92, %dma_start3A_93] : memref<400x128xf32, #tpu.memory_space<vmem>> -> memref<80x128xf32, #tpu.memory_space<vmem>>
        %dma_start3A_95 = arith.constant 0 : i32
        %dma_start3A_96 = tpu.memref_slice %arg5[%add3A_91, %dma_start3A_95] : memref<40x80xi32, #tpu.memory_space<vmem>> -> memref<1x80xi32, #tpu.memory_space<vmem>>
        %dma_start3A_97 = tpu.memref_squeeze %dma_start3A_96 : memref<1x80xi32, #tpu.memory_space<vmem>> -> memref<80xi32, #tpu.memory_space<vmem>>
        %dma_start3A_98 = arith.constant 0 : i32
        %dma_start3A_99 = arith.constant 0 : i32
        %dma_start3A_100 = tpu.memref_slice %arg7[%dma_start3A_98, %dma_start3A_99] : memref<128x128xf32, #tpu.memory_space<vmem_shared>> -> memref<128x128xf32, #tpu.memory_space<vmem_shared>>
        tpu.enqueue_indirect_dma source(%dma_start3A_100 : memref<128x128xf32, #tpu.memory_space<vmem_shared>>) target(%dma_start3A_94 : memref<80x128xf32, #tpu.memory_space<vmem>>) offsets(%dma_start3A_97 : memref<80xi32, #tpu.memory_space<vmem>>) semaphore(%arg8 : memref<!tpu.dma_semaphore, #tpu.memory_space<semaphore_mem>>)
        %dma_wait3A = arith.constant 0 : i32
        %dma_wait3A_101 = arith.constant 0 : i32
        %dma_wait3A_102 = tpu.memref_slice %arg6[%dma_wait3A, %dma_wait3A_101] : memref<400x128xf32, #tpu.memory_space<vmem>> -> memref<80x128xf32, #tpu.memory_space<vmem>>
        %dma_wait3A_103 = arith.constant 0 : i32
        %dma_wait3A_104 = tpu.memref_slice %arg5[%add3A_40, %dma_wait3A_103] : memref<40x80xi32, #tpu.memory_space<vmem>> -> memref<1x80xi32, #tpu.memory_space<vmem>>
        %dma_wait3A_105 = tpu.memref_squeeze %dma_wait3A_104 : memref<1x80xi32, #tpu.memory_space<vmem>> -> memref<80xi32, #tpu.memory_space<vmem>>
        %dma_wait3A_106 = arith.constant 0 : i32
        %dma_wait3A_107 = arith.constant 0 : i32
        %dma_wait3A_108 = tpu.memref_slice %arg7[%dma_wait3A_106, %dma_wait3A_107] : memref<128x128xf32, #tpu.memory_space<vmem_shared>> -> memref<128x128xf32, #tpu.memory_space<vmem_shared>>
        tpu.wait_indirect_dma semaphore(%arg8 : memref<!tpu.dma_semaphore, #tpu.memory_space<semaphore_mem>>) src(%dma_wait3A_108 : memref<128x128xf32, #tpu.memory_space<vmem_shared>>) dst(%dma_wait3A_102 : memref<80x128xf32, #tpu.memory_space<vmem>>)
        %dma_wait3A_109 = arith.constant 80 : i32
        %dma_wait3A_110 = arith.constant 0 : i32
        %dma_wait3A_111 = tpu.memref_slice %arg6[%dma_wait3A_109, %dma_wait3A_110] : memref<400x128xf32, #tpu.memory_space<vmem>> -> memref<80x128xf32, #tpu.memory_space<vmem>>
        %dma_wait3A_112 = arith.constant 0 : i32
        %dma_wait3A_113 = tpu.memref_slice %arg5[%add3A_52, %dma_wait3A_112] : memref<40x80xi32, #tpu.memory_space<vmem>> -> memref<1x80xi32, #tpu.memory_space<vmem>>
        %dma_wait3A_114 = tpu.memref_squeeze %dma_wait3A_113 : memref<1x80xi32, #tpu.memory_space<vmem>> -> memref<80xi32, #tpu.memory_space<vmem>>
        %dma_wait3A_115 = arith.constant 0 : i32
        %dma_wait3A_116 = arith.constant 0 : i32
        %dma_wait3A_117 = tpu.memref_slice %arg7[%dma_wait3A_115, %dma_wait3A_116] : memref<128x128xf32, #tpu.memory_space<vmem_shared>> -> memref<128x128xf32, #tpu.memory_space<vmem_shared>>
        tpu.wait_indirect_dma semaphore(%arg8 : memref<!tpu.dma_semaphore, #tpu.memory_space<semaphore_mem>>) src(%dma_wait3A_117 : memref<128x128xf32, #tpu.memory_space<vmem_shared>>) dst(%dma_wait3A_111 : memref<80x128xf32, #tpu.memory_space<vmem>>)
        %dma_wait3A_118 = arith.constant 160 : i32
        %dma_wait3A_119 = arith.constant 0 : i32
        %dma_wait3A_120 = tpu.memref_slice %arg6[%dma_wait3A_118, %dma_wait3A_119] : memref<400x128xf32, #tpu.memory_space<vmem>> -> memref<80x128xf32, #tpu.memory_space<vmem>>
        %dma_wait3A_121 = arith.constant 0 : i32
        %dma_wait3A_122 = tpu.memref_slice %arg5[%add3A_65, %dma_wait3A_121] : memref<40x80xi32, #tpu.memory_space<vmem>> -> memref<1x80xi32, #tpu.memory_space<vmem>>
        %dma_wait3A_123 = tpu.memref_squeeze %dma_wait3A_122 : memref<1x80xi32, #tpu.memory_space<vmem>> -> memref<80xi32, #tpu.memory_space<vmem>>
        %dma_wait3A_124 = arith.constant 0 : i32
        %dma_wait3A_125 = arith.constant 0 : i32
        %dma_wait3A_126 = tpu.memref_slice %arg7[%dma_wait3A_124, %dma_wait3A_125] : memref<128x128xf32, #tpu.memory_space<vmem_shared>> -> memref<128x128xf32, #tpu.memory_space<vmem_shared>>
        tpu.wait_indirect_dma semaphore(%arg8 : memref<!tpu.dma_semaphore, #tpu.memory_space<semaphore_mem>>) src(%dma_wait3A_126 : memref<128x128xf32, #tpu.memory_space<vmem_shared>>) dst(%dma_wait3A_120 : memref<80x128xf32, #tpu.memory_space<vmem>>)
        %dma_wait3A_127 = arith.constant 240 : i32
        %dma_wait3A_128 = arith.constant 0 : i32
        %dma_wait3A_129 = tpu.memref_slice %arg6[%dma_wait3A_127, %dma_wait3A_128] : memref<400x128xf32, #tpu.memory_space<vmem>> -> memref<80x128xf32, #tpu.memory_space<vmem>>
        %dma_wait3A_130 = arith.constant 0 : i32
        %dma_wait3A_131 = tpu.memref_slice %arg5[%add3A_78, %dma_wait3A_130] : memref<40x80xi32, #tpu.memory_space<vmem>> -> memref<1x80xi32, #tpu.memory_space<vmem>>
        %dma_wait3A_132 = tpu.memref_squeeze %dma_wait3A_131 : memref<1x80xi32, #tpu.memory_space<vmem>> -> memref<80xi32, #tpu.memory_space<vmem>>
        %dma_wait3A_133 = arith.constant 0 : i32
        %dma_wait3A_134 = arith.constant 0 : i32
        %dma_wait3A_135 = tpu.memref_slice %arg7[%dma_wait3A_133, %dma_wait3A_134] : memref<128x128xf32, #tpu.memory_space<vmem_shared>> -> memref<128x128xf32, #tpu.memory_space<vmem_shared>>
        tpu.wait_indirect_dma semaphore(%arg8 : memref<!tpu.dma_semaphore, #tpu.memory_space<semaphore_mem>>) src(%dma_wait3A_135 : memref<128x128xf32, #tpu.memory_space<vmem_shared>>) dst(%dma_wait3A_129 : memref<80x128xf32, #tpu.memory_space<vmem>>)
        %dma_wait3A_136 = arith.constant 320 : i32
        %dma_wait3A_137 = arith.constant 0 : i32
        %dma_wait3A_138 = tpu.memref_slice %arg6[%dma_wait3A_136, %dma_wait3A_137] : memref<400x128xf32, #tpu.memory_space<vmem>> -> memref<80x128xf32, #tpu.memory_space<vmem>>
        %dma_wait3A_139 = arith.constant 0 : i32
        %dma_wait3A_140 = tpu.memref_slice %arg5[%add3A_91, %dma_wait3A_139] : memref<40x80xi32, #tpu.memory_space<vmem>> -> memref<1x80xi32, #tpu.memory_space<vmem>>
        %dma_wait3A_141 = tpu.memref_squeeze %dma_wait3A_140 : memref<1x80xi32, #tpu.memory_space<vmem>> -> memref<80xi32, #tpu.memory_space<vmem>>
        %dma_wait3A_142 = arith.constant 0 : i32
        %dma_wait3A_143 = arith.constant 0 : i32
        %dma_wait3A_144 = tpu.memref_slice %arg7[%dma_wait3A_142, %dma_wait3A_143] : memref<128x128xf32, #tpu.memory_space<vmem_shared>> -> memref<128x128xf32, #tpu.memory_space<vmem_shared>>
        tpu.wait_indirect_dma semaphore(%arg8 : memref<!tpu.dma_semaphore, #tpu.memory_space<semaphore_mem>>) src(%dma_wait3A_144 : memref<128x128xf32, #tpu.memory_space<vmem_shared>>) dst(%dma_wait3A_138 : memref<80x128xf32, #tpu.memory_space<vmem>>)
        %mul3A_145 = arith.constant 5 : i32
        %mul3A_146 = arith.muli %add3A_33, %mul3A_145 : i32
        %add3A_147 = arith.addi %mul3A_2, %mul3A_146 : i32
        %mul3A_148 = arith.constant 80 : i32
        %mul3A_149 = arith.muli %add3A_147, %mul3A_148 : i32
        "tpu.region"() ({
          %run_scoped3A = tpu.sem_alloc : memref<!tpu.dma_semaphore, #tpu.memory_space<semaphore_mem>>
          %dma_start3A_150 = arith.constant 0 : i32
          %dma_start3A_151 = tpu.memref_slice %arg4[%mul3A_149, %dma_start3A_150] : memref<100000x128xf32, #tpu.memory_space<hbm>> -> memref<400x128xf32, #tpu.memory_space<hbm>>
          %dma_start3A_152 = arith.constant 0 : i32
          %dma_start3A_153 = tpu.memref_slice %arg4[%mul3A_149, %dma_start3A_152] : memref<100000x128xf32, #tpu.memory_space<hbm>> -> memref<400x128xf32, #tpu.memory_space<hbm>>
          tpu.enqueue_dma source(%arg6 : memref<400x128xf32, #tpu.memory_space<vmem>>) target(%dma_start3A_153 : memref<400x128xf32, #tpu.memory_space<hbm>>) target_semaphore(%run_scoped3A : memref<!tpu.dma_semaphore, #tpu.memory_space<semaphore_mem>>)
          %dma_wait3A_154 = arith.constant 0 : i32
          %dma_wait3A_155 = tpu.memref_slice %arg4[%mul3A_149, %dma_wait3A_154] : memref<100000x128xf32, #tpu.memory_space<hbm>> -> memref<400x128xf32, #tpu.memory_space<hbm>>
          %dma_wait3A_156 = arith.constant 0 : i32
          %dma_wait3A_157 = tpu.memref_slice %arg4[%mul3A_149, %dma_wait3A_156] : memref<100000x128xf32, #tpu.memory_space<hbm>> -> memref<400x128xf32, #tpu.memory_space<hbm>>
          tpu.wait_dma2 semaphore(%run_scoped3A : memref<!tpu.dma_semaphore, #tpu.memory_space<semaphore_mem>>) src(%arg6 : memref<400x128xf32, #tpu.memory_space<vmem>>) dst(%dma_wait3A_157 : memref<400x128xf32, #tpu.memory_space<hbm>>)
          tpu.yield
        }) : () -> ()
      } else {
      }
    }
    %scan3A_28 = arith.constant 8 : i32
    return
  }
}

module attributes {stable_mosaic.version = 14 : i64} {
  func.func @_stats_body(%arg0: i32, %arg1: memref<5000x128xf32, #tpu.memory_space<vmem>>, %arg2: memref<1x1x5000xi32, #tpu.memory_space<vmem>>, %arg3: memref<128x64xbf16, #tpu.memory_space<vmem>>, %arg4: memref<1x64xf32, #tpu.memory_space<vmem>>, %arg5: memref<64x1xf32, #tpu.memory_space<vmem>>, %arg6: memref<1x1xf32, #tpu.memory_space<vmem>>, %arg7: memref<128x128xf32, #tpu.memory_space<vmem>>, %arg8: memref<1x128xf32, #tpu.memory_space<vmem>>, %arg9: memref<5000x1xbf16, #tpu.memory_space<vmem>>, %arg10: memref<1x1xf32, #tpu.memory_space<vmem>>, %arg11: memref<128x128xf32, #tpu.memory_space<vmem>>, %arg12: memref<128x1xf32, #tpu.memory_space<vmem>>, %arg13: memref<128x128xf32, #tpu.memory_space<vmem>>) attributes {dimension_semantics = [#tpu.dimension_semantics<arbitrary>], iteration_bounds = array<i64: 20>, scalar_prefetch = 0 : i64, scratch_operands = 2 : i64, tpu.core_type = #tpu.core_type<tc>, window_params = [{transform_indices = @transform_0, window_bounds = array<i64: 5000, 128>}, {transform_indices = @transform_1, window_bounds = array<i64: 1, 1, 5000>}, {pipeline_mode = #tpu.pipeline_mode<synchronous>, transform_indices = @transform_2, window_bounds = array<i64: 128, 64>}, {pipeline_mode = #tpu.pipeline_mode<synchronous>, transform_indices = @transform_3, window_bounds = array<i64: 1, 64>}, {pipeline_mode = #tpu.pipeline_mode<synchronous>, transform_indices = @transform_4, window_bounds = array<i64: 64, 1>}, {pipeline_mode = #tpu.pipeline_mode<synchronous>, transform_indices = @transform_5, window_bounds = array<i64: 1, 1>}, {pipeline_mode = #tpu.pipeline_mode<synchronous>, transform_indices = @transform_6, window_bounds = array<i64: 128, 128>}, {pipeline_mode = #tpu.pipeline_mode<synchronous>, transform_indices = @transform_7, window_bounds = array<i64: 1, 128>}, {pipeline_mode = #tpu.pipeline_mode<synchronous>, transform_indices = @transform_8, window_bounds = array<i64: 5000, 1>}, {pipeline_mode = #tpu.pipeline_mode<synchronous>, transform_indices = @transform_9, window_bounds = array<i64: 1, 1>}, {pipeline_mode = #tpu.pipeline_mode<synchronous>, transform_indices = @transform_10, window_bounds = array<i64: 128, 128>}]} {
    %eq3A = arith.constant 0 : i32
    %eq3A_0 = arith.cmpi eq, %arg0, %eq3A : i32
    %convert_element_type3A = arith.extui %eq3A_0 : i1 to i32
    %cond3A = arith.constant 0 : i32
    %cond3A_1 = arith.cmpi ne, %convert_element_type3A, %cond3A : i32
    scf.if %cond3A_1 {
      %broadcast_in_dim3A_66 = arith.constant 0.000000e+00 : f32
      %broadcast_in_dim3A_67 = vector.broadcast %broadcast_in_dim3A_66 : f32 to vector<128x1xf32>
      %swap3A_68 = arith.constant 0 : index
      %swap3A_69 = arith.constant 0 : index
      %swap3A_70 = vector.load %arg12[%swap3A_68, %swap3A_69] : memref<128x1xf32, #tpu.memory_space<vmem>>, vector<128x1xf32>
      tpu.vector_store %arg12[%swap3A_68, %swap3A_69], %broadcast_in_dim3A_67 {strides = array<i32>} : memref<128x1xf32, #tpu.memory_space<vmem>>, vector<128x1xf32>,
      %broadcast_in_dim3A_71 = arith.constant 0.000000e+00 : f32
      %broadcast_in_dim3A_72 = vector.broadcast %broadcast_in_dim3A_71 : f32 to vector<128x128xf32>
      %swap3A_73 = arith.constant 0 : index
      %swap3A_74 = arith.constant 0 : index
      %swap3A_75 = vector.load %arg13[%swap3A_73, %swap3A_74] : memref<128x128xf32, #tpu.memory_space<vmem>>, vector<128x128xf32>
      tpu.vector_store %arg13[%swap3A_73, %swap3A_74], %broadcast_in_dim3A_72 {strides = array<i32>} : memref<128x128xf32, #tpu.memory_space<vmem>>, vector<128x128xf32>,
    } else {
    }
    %get3A = arith.constant 0 : index
    %get3A_2 = arith.constant 0 : index
    %get3A_3 = vector.load %arg1[%get3A, %get3A_2] : memref<5000x128xf32, #tpu.memory_space<vmem>>, vector<5000x128xf32>
    %convert_element_type3A_4 = arith.truncf %get3A_3 : vector<5000x128xf32> to vector<5000x128xbf16>
    %get3A_5 = arith.constant 0 : index
    %get3A_6 = arith.constant 0 : index
    %get3A_7 = arith.constant 0 : index
    %get3A_8 = vector.load %arg2[%get3A_5, %get3A_6, %get3A_7] : memref<1x1x5000xi32, #tpu.memory_space<vmem>>, vector<1x1x5000xi32>
    %get3A_9 = vector.shape_cast %get3A_8 : vector<1x1x5000xi32> to vector<1x5000xi32>
    %get3A_10 = arith.constant 0 : index
    %get3A_11 = arith.constant 0 : index
    %get3A_12 = vector.load %arg3[%get3A_10, %get3A_11] : memref<128x64xbf16, #tpu.memory_space<vmem>>, vector<128x64xbf16>
    %dot_general3A = arith.constant dense<0.000000e+00> : vector<5000x64xf32>
    %dot_general3A_13 = tpu.matmul %convert_element_type3A_4, %get3A_12, %dot_general3A {dimension_numbers = #tpu.dot_dimension_numbers<[1], [0], [0], [1], [0, 0, 1, 1], [], []>, transpose_lhs_hint = false} : vector<5000x128xbf16>, vector<128x64xbf16>, vector<5000x64xf32> -> vector<5000x64xf32>
    %get3A_14 = arith.constant 0 : index
    %get3A_15 = arith.constant 0 : index
    %get3A_16 = vector.load %arg4[%get3A_14, %get3A_15] : memref<1x64xf32, #tpu.memory_space<vmem>>, vector<1x64xf32>
    %add3A = vector.broadcast %get3A_16 : vector<1x64xf32> to vector<5000x64xf32>
    %add3A_17 = arith.addf %dot_general3A_13, %add3A : vector<5000x64xf32>
    %tanh3A = math.tanh %add3A_17 : vector<5000x64xf32>
    %get3A_18 = arith.constant 0 : index
    %get3A_19 = arith.constant 0 : index
    %get3A_20 = vector.load %arg5[%get3A_18, %get3A_19] : memref<64x1xf32, #tpu.memory_space<vmem>>, vector<64x1xf32>
    %dot_general3A_21 = arith.constant dense<0.000000e+00> : vector<1x5000xf32>
    %dot_general3A_22 = tpu.matmul %get3A_20, %tanh3A, %dot_general3A_21 {dimension_numbers = #tpu.dot_dimension_numbers<[0], [1], [1], [0], [0, 1, 1, 0], [], []>, transpose_lhs_hint = false} : vector<64x1xf32>, vector<5000x64xf32>, vector<1x5000xf32> -> vector<1x5000xf32>
    %get3A_23 = arith.constant 0 : index
    %get3A_24 = arith.constant 0 : index
    %get3A_25 = vector.load %arg6[%get3A_23, %get3A_24] : memref<1x1xf32, #tpu.memory_space<vmem>>, vector<1x1xf32>
    %add3A_26 = vector.broadcast %get3A_25 : vector<1x1xf32> to vector<1x5000xf32>
    %add3A_27 = arith.addf %dot_general3A_22, %add3A_26 : vector<1x5000xf32>
    %get3A_28 = arith.constant 0 : index
    %get3A_29 = arith.constant 0 : index
    %get3A_30 = vector.load %arg10[%get3A_28, %get3A_29] : memref<1x1xf32, #tpu.memory_space<vmem>>, vector<1x1xf32>
    %get3A_31 = vector.extract %get3A_30[0, 0] : f32 from vector<1x1xf32>
    %sub3A = vector.broadcast %get3A_31 : f32 to vector<1x5000xf32>
    %sub3A_32 = arith.subf %add3A_27, %sub3A : vector<1x5000xf32>
    %exp3A = math.exp %sub3A_32 : vector<1x5000xf32>
    %convert_element_type3A_33 = arith.truncf %exp3A : vector<1x5000xf32> to vector<1x5000xbf16>
    %convert_element_type3A_34 = arith.sitofp %get3A_9 : vector<1x5000xi32> to vector<1x5000xbf16>
    %iota3A = tpu.iota {dimensions = array<i32: 0>} : vector<128x1xi32>
    %convert_element_type3A_35 = arith.sitofp %iota3A : vector<128x1xi32> to vector<128x1xbf16>
    %eq3A_36 = vector.broadcast %convert_element_type3A_35 : vector<128x1xbf16> to vector<128x5000xbf16>
    %eq3A_37 = vector.broadcast %convert_element_type3A_34 : vector<1x5000xbf16> to vector<128x5000xbf16>
    %eq3A_38 = arith.cmpf oeq, %eq3A_36, %eq3A_37 : vector<128x5000xbf16>
    %jit3A = arith.constant 0.000000e+00 : bf16
    %broadcast_in_dim3A = vector.shape_cast %convert_element_type3A_33 : vector<1x5000xbf16> to vector<1x5000xbf16>
    %broadcast_in_dim3A_39 = vector.broadcast %broadcast_in_dim3A : vector<1x5000xbf16> to vector<128x5000xbf16>
    %broadcast_in_dim3A_40 = vector.broadcast %jit3A : bf16 to vector<128x5000xbf16>
    %select_n3A = arith.select %eq3A_38, %broadcast_in_dim3A_39, %broadcast_in_dim3A_40 : vector<128x5000xi1>, vector<128x5000xbf16>
    %dot_general3A_41 = arith.constant dense<0.000000e+00> : vector<128x128xf32>
    %dot_general3A_42 = tpu.matmul %select_n3A, %convert_element_type3A_4, %dot_general3A_41 {dimension_numbers = #tpu.dot_dimension_numbers<[1], [0], [0], [1], [0, 0, 1, 1], [], []>, transpose_lhs_hint = false} : vector<128x5000xbf16>, vector<5000x128xbf16>, vector<128x128xf32> -> vector<128x128xf32>
    %get3A_43 = arith.constant 0 : index
    %get3A_44 = arith.constant 0 : index
    %get3A_45 = vector.load %arg9[%get3A_43, %get3A_44] : memref<5000x1xbf16, #tpu.memory_space<vmem>>, vector<5000x1xbf16>
    %dot_general3A_46 = arith.constant dense<0.000000e+00> : vector<128x1xf32>
    %dot_general3A_47 = tpu.matmul %select_n3A, %get3A_45, %dot_general3A_46 {dimension_numbers = #tpu.dot_dimension_numbers<[1], [0], [0], [1], [0, 0, 1, 1], [], []>, transpose_lhs_hint = false} : vector<128x5000xbf16>, vector<5000x1xbf16>, vector<128x1xf32> -> vector<128x1xf32>
    %get3A_48 = arith.constant 0 : index
    %get3A_49 = arith.constant 0 : index
    %get3A_50 = vector.load %arg12[%get3A_48, %get3A_49] : memref<128x1xf32, #tpu.memory_space<vmem>>, vector<128x1xf32>
    %add3A_51 = arith.addf %get3A_50, %dot_general3A_47 : vector<128x1xf32>
    %swap3A = arith.constant 0 : index
    %swap3A_52 = arith.constant 0 : index
    %swap3A_53 = vector.load %arg12[%swap3A, %swap3A_52] : memref<128x1xf32, #tpu.memory_space<vmem>>, vector<128x1xf32>
    tpu.vector_store %arg12[%swap3A, %swap3A_52], %add3A_51 {strides = array<i32>} : memref<128x1xf32, #tpu.memory_space<vmem>>, vector<128x1xf32>,
    %get3A_54 = arith.constant 0 : index
    %get3A_55 = arith.constant 0 : index
    %get3A_56 = vector.load %arg13[%get3A_54, %get3A_55] : memref<128x128xf32, #tpu.memory_space<vmem>>, vector<128x128xf32>
    %add3A_57 = arith.addf %get3A_56, %dot_general3A_42 : vector<128x128xf32>
    %swap3A_58 = arith.constant 0 : index
    %swap3A_59 = arith.constant 0 : index
    %swap3A_60 = vector.load %arg13[%swap3A_58, %swap3A_59] : memref<128x128xf32, #tpu.memory_space<vmem>>, vector<128x128xf32>
    tpu.vector_store %arg13[%swap3A_58, %swap3A_59], %add3A_57 {strides = array<i32>} : memref<128x128xf32, #tpu.memory_space<vmem>>, vector<128x128xf32>,
    %eq3A_61 = arith.constant 19 : i32
    %eq3A_62 = arith.cmpi eq, %arg0, %eq3A_61 : i32
    %convert_element_type3A_63 = arith.extui %eq3A_62 : i1 to i32
    %cond3A_64 = arith.constant 0 : i32
    %cond3A_65 = arith.cmpi ne, %convert_element_type3A_63, %cond3A_64 : i32
    scf.if %cond3A_65 {
      %get3A_66 = arith.constant 0 : index
      %get3A_67 = arith.constant 0 : index
      %get3A_68 = vector.load %arg12[%get3A_66, %get3A_67] : memref<128x1xf32, #tpu.memory_space<vmem>>, vector<128x1xf32>
      %gt3A = arith.constant 0.000000e+00 : f32
      %gt3A_69 = vector.broadcast %gt3A : f32 to vector<128x1xf32>
      %gt3A_70 = arith.cmpf ogt, %get3A_68, %gt3A_69 : vector<128x1xf32>
      %jit3A_71 = arith.constant 1.000000e+00 : f32
      %broadcast_in_dim3A_72 = vector.broadcast %jit3A_71 : f32 to vector<128x1xf32>
      %select_n3A_73 = arith.select %gt3A_70, %get3A_68, %broadcast_in_dim3A_72 : vector<128x1xi1>, vector<128x1xf32>
      %div3A = arith.constant 1.000000e+00 : f32
      %div3A_74 = vector.broadcast %div3A : f32 to vector<128x1xf32>
      %div3A_75 = arith.divf %div3A_74, %select_n3A_73 : vector<128x1xf32>
      %get3A_76 = arith.constant 0 : index
      %get3A_77 = arith.constant 0 : index
      %get3A_78 = vector.load %arg13[%get3A_76, %get3A_77] : memref<128x128xf32, #tpu.memory_space<vmem>>, vector<128x128xf32>
      %mul3A = vector.broadcast %div3A_75 : vector<128x1xf32> to vector<128x128xf32>
      %mul3A_79 = arith.mulf %get3A_78, %mul3A : vector<128x128xf32>
      %get3A_80 = arith.constant 0 : index
      %get3A_81 = arith.constant 0 : index
      %get3A_82 = vector.load %arg7[%get3A_80, %get3A_81] : memref<128x128xf32, #tpu.memory_space<vmem>>, vector<128x128xf32>
      %dot_general3A_83 = arith.constant dense<0.000000e+00> : vector<128x128xf32>
      %dot_general3A_84 = tpu.matmul %mul3A_79, %get3A_82, %dot_general3A_83 {dimension_numbers = #tpu.dot_dimension_numbers<[1], [0], [0], [1], [0, 0, 1, 1], [], []>, transpose_lhs_hint = false} : vector<128x128xf32>, vector<128x128xf32>, vector<128x128xf32> -> vector<128x128xf32>
      %get3A_85 = arith.constant 0 : index
      %get3A_86 = arith.constant 0 : index
      %get3A_87 = vector.load %arg8[%get3A_85, %get3A_86] : memref<1x128xf32, #tpu.memory_space<vmem>>, vector<1x128xf32>
      %add3A_88 = vector.broadcast %get3A_87 : vector<1x128xf32> to vector<128x128xf32>
      %add3A_89 = arith.addf %dot_general3A_84, %add3A_88 : vector<128x128xf32>
      %swap3A_90 = arith.constant 0 : index
      %swap3A_91 = arith.constant 0 : index
      %swap3A_92 = vector.load %arg11[%swap3A_90, %swap3A_91] : memref<128x128xf32, #tpu.memory_space<vmem>>, vector<128x128xf32>
      tpu.vector_store %arg11[%swap3A_90, %swap3A_91], %add3A_89 {strides = array<i32>} : memref<128x128xf32, #tpu.memory_space<vmem>>, vector<128x128xf32>,
    } else {
    }
    return
  }
  func.func @transform_0(%arg0: i32) -> (i32, i32) {
    %c0_i32 = arith.constant 0 : i32
    %c0_i32_0 = arith.constant 0 : i32
    return %arg0, %c0_i32 : i32, i32
  }
  func.func @transform_1(%arg0: i32) -> (i32, i32, i32) {
    %c0_i32 = arith.constant 0 : i32
    %c0_i32_0 = arith.constant 0 : i32
    %c0_i32_1 = arith.constant 0 : i32
    return %arg0, %c0_i32, %c0_i32_0 : i32, i32, i32
  }
  func.func @transform_2(%arg0: i32) -> (i32, i32) {
    %c0_i32 = arith.constant 0 : i32
    %c0_i32_0 = arith.constant 0 : i32
    %c0_i32_1 = arith.constant 0 : i32
    return %c0_i32, %c0_i32_0 : i32, i32
  }
  func.func @transform_3(%arg0: i32) -> (i32, i32) {
    %c0_i32 = arith.constant 0 : i32
    %c0_i32_0 = arith.constant 0 : i32
    %c0_i32_1 = arith.constant 0 : i32
    return %c0_i32, %c0_i32_0 : i32, i32
  }
  func.func @transform_4(%arg0: i32) -> (i32, i32) {
    %c0_i32 = arith.constant 0 : i32
    %c0_i32_0 = arith.constant 0 : i32
    %c0_i32_1 = arith.constant 0 : i32
    return %c0_i32, %c0_i32_0 : i32, i32
  }
  func.func @transform_5(%arg0: i32) -> (i32, i32) {
    %c0_i32 = arith.constant 0 : i32
    %c0_i32_0 = arith.constant 0 : i32
    %c0_i32_1 = arith.constant 0 : i32
    return %c0_i32, %c0_i32_0 : i32, i32
  }
  func.func @transform_6(%arg0: i32) -> (i32, i32) {
    %c0_i32 = arith.constant 0 : i32
    %c0_i32_0 = arith.constant 0 : i32
    %c0_i32_1 = arith.constant 0 : i32
    return %c0_i32, %c0_i32_0 : i32, i32
  }
  func.func @transform_7(%arg0: i32) -> (i32, i32) {
    %c0_i32 = arith.constant 0 : i32
    %c0_i32_0 = arith.constant 0 : i32
    %c0_i32_1 = arith.constant 0 : i32
    return %c0_i32, %c0_i32_0 : i32, i32
  }
  func.func @transform_8(%arg0: i32) -> (i32, i32) {
    %c0_i32 = arith.constant 0 : i32
    %c0_i32_0 = arith.constant 0 : i32
    %c0_i32_1 = arith.constant 0 : i32
    return %c0_i32, %c0_i32_0 : i32, i32
  }
  func.func @transform_9(%arg0: i32) -> (i32, i32) {
    %c0_i32 = arith.constant 0 : i32
    %c0_i32_0 = arith.constant 0 : i32
    %c0_i32_1 = arith.constant 0 : i32
    return %c0_i32, %c0_i32_0 : i32, i32
  }
  func.func @transform_10(%arg0: i32) -> (i32, i32) {
    %c0_i32 = arith.constant 0 : i32
    %c0_i32_0 = arith.constant 0 : i32
    %c0_i32_1 = arith.constant 0 : i32
    return %c0_i32, %c0_i32_0 : i32, i32
  }
}

</mosaic_0001>

<sc_bundles>
// kernel: kernel.4.cloned.1.call-start
scs
__scs_entry_jumppad:
0x0: {  	(pc) =	sbr.rel $0x88, $3  }
0x1: {  	(tag) =	ssettag $0x0;
	lr =	simm.s32 $0x1  }
0x2: {  	[smem:$0x3F99] =	sst lr;
	_ =	strace $0xD0000000  }
0x3: {  	_ = 	snop  }
0x4: {  	_ = 	snop  }
0x5: {  	_ = 	snop  }
0x6: {  	_ = 	snop  }
0x7: {  	_ = 	snop  }
__scs_overlays_trampoline_lowered:
0x8: {  	[smem:$0x3FA8] =	sst s0  }
0x9: {  	[smem:$0x3FA9] =	sst s1  }
0xa: {  	[smem:$0x3FAA] =	sst s2  }
0xb: {  	[smem:$0x3FAB] =	sst s3  }
0xc: {  	[smem:$0x3FAC] =	sst s4  }
0xd: {  	[smem:$0x3FAD] =	sst s5  }
0xe: {  	[smem:$0x3FAE] =	sst s6  }
0xf: {  	[smem:$0x3FAF] =	sst s7  }
0x10: {  	[smem:$0x3FB0] =	sst s8  }
0x11: {  	[smem:$0x3FB1] =	sst s9;
	s0 =	simm.s32 @!p0 $0x0  }
0x12: {  	s1 =	sld [smem:$0x3F97];
	s0 =	simm.s32 @p0 $0x1  }
0x13: {  	[smem:$0x3FB2] =	sst s0;
	s0 =	simm.s32 @!p1 $0x0  }
0x14: {  	s2 =	sld [smem:$0x3F96];
	s0 =	simm.s32 @p1 $0x1  }
0x15: {  	[smem:$0x3FB3] =	sst s0;
	s0 =	simm.s32 @!p2 $0x0  }
0x16: {  	s3 =	sld [smem:$0x3FDB];
	s0 =	simm.s32 @p2 $0x1  }
0x17: {  	s4 =	simm.s32 $0x1BF5;
	[smem:$0x3FB5] =	sst s0  }
0x18: {  	s0 =	sld [smem:$0x3F98];
	_ =	swait.ge [sflag:s4], $0x0  }
0x19: {  	s7 =	sld [smem:$0x3F99]  }
0x1a: {  	s8 =	sadd.s32 $0xFFFFE003, lr  }
0x1b: {  	s9 =	sadd.s32 $0xFFFFFEF7, lr;
	s5 =	simm.s32 $0xFFFFFFFF;
	p2 =	slt.u32 s8, $0xFFFFF086  }
0x1c: {  	p1 =	slt.u32 s9, $0xF7A;
	s5 =	simm.s32 @!p2 $0x0  }
0x1d: {  	s5 =	simm.s32 @p1 $0x1;
	p0 =	seq.s32 s7, s2  }
0x1e: {  	s7 =	smul.u32 @!p0 $0xF7A, s2;
	p2 =	seq.s32 @!p0 s5, $0x0  }
0x1f: {  	s9 =	smul.u32 $0xF7A, s1;
	s8 =	simm.s32 @!p0 $0x1BF5;
	p2 =	por !p2, p0  }
0x20: {  	[sflag:s8] =	ssyncset.s32 @!p0 $0xFFFFF086;
	s6 =	sadd.s32 @!p0 s3, s7;
	s7 =	simm.s32 @!p0 $0x108  }
0x21: {  	s3 =	sadd.s32 s3, s9;
	s6 =	sadd.s32 @!p0 $0x88, s6;
	s7 =	simm.s32 @p2 $0x1082  }
0x22: {  	[simem:s7], [sflag:s8] =	dma.local @!p0 [hbm:s6], $0xF7A  }
0x23: {  	s9 =	sor.u32 $0xD0000000, s2;
	s6 =	simm.s32 $0x108;
	_ =	swait.ge @!p0 [sflag:s8], $0x0  }
0x24: {  	s3 =	sadd.s32 $0x88, s3;
	s6 =	simm.s32 @!p1 $0x1082;
	[sflag:s4] =	ssyncset.s32 $0xFFFFF086  }
0x25: {  	[simem:s6], [sflag:s4] =	dma.local [hbm:s3], $0xF7A  }
0x26: {  	[smem:$0x3F99] =	sst s1;
	(tag) =	ssettag s2;
	_ =	strace s9  }
0x27: {  	s1 =	sld [smem:$0x3FA9]  }
0x28: {  	s2 =	sld [smem:$0x3FAA]  }
0x29: {  	s4 =	sld [smem:$0x3FAC]  }
0x2a: {  	p0 =	seq.s32 s5, $0x0;
	s5 =	sld [smem:$0x3FAD]  }
0x2b: {  	s6 =	sld [smem:$0x3FAE]  }
0x2c: {  	s7 =	sld [smem:$0x3FAF]  }
0x2d: {  	s3 =	simm.s32 $0x108;
	s8 =	sld [smem:$0x3FB0]  }
0x2e: {  	s3 =	simm.s32 @!p0 $0x1082;
	s9 =	sld [smem:$0x3FB1]  }
0x2f: {  	lr =	sadd.s32 s0, s3;
	s0 =	sld [smem:$0x3FA8]  }
0x30: {  	s3 =	sld [smem:$0x3FAB]  }
0x31: {  	[smem:$0x3FB4] =	sst s10  }
0x32: {  	s10 =	sld [smem:$0x3FB2];
	_ =	sdelay $0x3  }
0x33: {  	p0 =	seq.s32 s10, $0x1;
	s10 =	sld [smem:$0x3FB4];
	_ =	sdelay $0x3  }
0x34: {  	[smem:$0x3FB4] =	sst s10  }
0x35: {  	s10 =	sld [smem:$0x3FB3];
	_ =	sdelay $0x3  }
0x36: {  	p1 =	seq.s32 s10, $0x1;
	s10 =	sld [smem:$0x3FB4];
	_ =	sdelay $0x3  }
0x37: {  	[smem:$0x3FB4] =	sst s10  }
0x38: {  	s10 =	sld [smem:$0x3FB5]  }
0x39: {  	_ = 	snop;
	(pc) =	sbr.ind lr, $3  }
0x3a: {  	_ = 	snop  }
0x3b: {  	_ = 	snop  }
0x3c: {  	p2 =	seq.s32 s10, $0x1;
	s10 =	sld [smem:$0x3FB4]  }
0x3d: {  	_ =	shalt  }
0x3e: {  	_ =	shalt  }
0x3f: {  	_ =	shalt  }
0x40: {  	_ =	shalt  }
0x41: {  	_ =	shalt  }
0x42: {  	_ =	shalt  }
0x43: {  	_ =	shalt  }
0x44: {  	_ =	shalt  }
0x45: {  	_ =	shalt  }
0x46: {  	_ =	shalt  }
0x47: {  	_ =	shalt  }
0x48: {  	_ =	shalt  }
0x49: {  	_ =	shalt  }
0x4a: {  	_ =	shalt  }
0x4b: {  	_ =	shalt  }
0x4c: {  	_ =	shalt  }
0x4d: {  	_ =	shalt  }
0x4e: {  	_ =	shalt  }
0x4f: {  	_ =	shalt  }
0x50: {  	_ =	shalt  }
0x51: {  	_ =	shalt  }
0x52: {  	_ =	shalt  }
0x53: {  	_ =	shalt  }
0x54: {  	_ =	shalt  }
0x55: {  	_ =	shalt  }
0x56: {  	_ =	shalt  }
0x57: {  	_ =	shalt  }
0x58: {  	_ =	shalt  }
0x59: {  	_ =	shalt  }
0x5a: {  	_ =	shalt  }
0x5b: {  	_ =	shalt  }
0x5c: {  	_ =	shalt  }
0x5d: {  	_ =	shalt  }
0x5e: {  	_ =	shalt  }
0x5f: {  	_ =	shalt  }
0x60: {  	_ =	shalt  }
0x61: {  	_ =	shalt  }
0x62: {  	_ =	shalt  }
0x63: {  	_ =	shalt  }
0x64: {  	_ =	shalt  }
0x65: {  	_ =	shalt  }
0x66: {  	_ =	shalt  }
0x67: {  	_ =	shalt  }
0x68: {  	_ =	shalt  }
0x69: {  	_ =	shalt  }
0x6a: {  	_ =	shalt  }
0x6b: {  	_ =	shalt  }
0x6c: {  	_ =	shalt  }
0x6d: {  	_ =	shalt  }
0x6e: {  	_ =	shalt  }
0x6f: {  	_ =	shalt  }
0x70: {  	_ =	shalt  }
0x71: {  	_ =	shalt  }
0x72: {  	_ =	shalt  }
0x73: {  	_ =	shalt  }
0x74: {  	_ =	shalt  }
0x75: {  	_ =	shalt  }
0x76: {  	_ =	shalt  }
0x77: {  	_ =	shalt  }
0x78: {  	_ =	shalt  }
0x79: {  	_ =	shalt  }
0x7a: {  	_ =	shalt  }
0x7b: {  	_ =	shalt  }
0x7c: {  	_ =	shalt  }
0x7d: {  	_ =	shalt  }
0x7e: {  	_ =	shalt  }
0x7f: {  	_ =	shalt  }
0x80: {  	_ =	shalt  }
0x81: {  	_ =	shalt  }
0x82: {  	_ =	shalt  }
0x83: {  	_ =	shalt  }
0x84: {  	_ =	shalt  }
0x85: {  	_ =	shalt  }
0x86: {  	_ =	shalt  }
0x87: {  	_ =	shalt  }
.Lfunc_end0:
.L_simem_size_0:
called_computation_lowered:
.L_overlay_start_0:
0x88: {  	s2 =	sld [smem:$0x3FD9]  }
0x89: {  	s3 =	sld [smem:$0x3FFE];
	_ =	sdelay $0x1  }
0x8a: {  	s1 =	srdreg.scid  }
0x8b: {  	s0 =	sand.u32 $0x1, s1  }
0x8c: {  	s17 =	sshll.u32 s0, $0xA;
	s2 =	sadd.s32 s3, s2  }
0x8d: {  	s2 =	sadd.s32 s2, s17  }
0x8e: {  	[smem:$0x3FC0] =	sst s2  }
0x8f: {  	_ = 	snop  }
0x90: {  	s2 =	sld [smem:$0x3FD0];
	(tm) =	ssettm $0x1  }
0x91: {  	s18 =	sld [smem:$0x3FFB];
	_ =	sdelay $0x3  }
0x92: {  	_ =	strace s18  }
0x93: {  	s3 =	sld [smem:$0x3FFC];
	_ =	sdelay $0x3  }
0x94: {  	_ =	strace s3  }
0x95: {  	s3 =	sld [smem:$0x3FFD];
	_ =	sdelay $0x3  }
0x96: {  	_ =	strace s3  }
0x97: {  	_ =	strace $0x8FFFFFFF  }
0x98: {  	s19 =	sld [smem:$0x3FDB];
	_ =	sdelay $0x1  }
0x99: {  	s4 =	simm.s32 $_scs_section_size  }
0x9a: {  	s5 =	simm.s32 $_size__tile_overlayer_lowered;
	s6 =	simm.s32 $_tile_overlayer_lowered  }
0x9b: {  	s22 =	simm.s32 $0x1BFF;
	s21 =	sshll.u32 s6, $0x1;
	s3 =	sadd.s32 s4, s19  }
0x9c: {  	s7 =	simm.s32 $0x0;
	s20 =	sshll.u32 s5, $0x1;
	s5 =	sadd.s32 s21, s3  }
0x9d: {  	[timem:s7], [sflag:s22] =	dma.local [hbm:s5], s20  }
0x9e: {  	_ =	swait.ge [sflag:s22], s20  }
0x9f: {  	s4 =	ssub.s32 $0x0, s20;
	[sflag:s22] =	ssyncset.done $0x0  }
0xa0: {  	[sflag:s22] =	ssyncadd.s32 s4;
	_ =	sdelay $0x1  }
0xa1: {  	s23 =	simm.s32 $0x1B8B  }
0xa2: {  	_ =	swait.ge [sflag:s23], $0x1  }
0xa3: {  	[sflag:s23] =	ssyncset.done $0x0  }
0xa4: {  	s25 =	simm.s32 $0x1B8E;
	s24 =	sld [smem:$0x3FFE];
	[sflag:s23] =	ssyncadd.s32 $0xFFFFFFFF  }
0xa5: {  	s26 =	simm.s32 $execute0_lowered;
	[smem:$0x3FD2] =	sst s25  }
0xa6: {  	s5 =	sshll.u32 s26, $0x1;
	_ =	strace $0x80000046;
	[dreg:$0x1] =	wrdreg $0xFFFFFFFF  }
0xa7: {  	s28 =	simm.s32 $_size_execute0_lowered;
	s3 =	sadd.s32 s3, s5;
	[dreg:$0x0] =	wrdreg $0x0  }
0xa8: {  	s5 =	sshll.u32 s28, $0x1;
	[dreg:$0x2] =	wrdreg s3  }
0xa9: {  	[dreg:$0x3] =	wrdreg s5  }
0xaa: {  	[dreg:$0x4] =	wrdreg $0xC0  }
0xab: {  	_ =	task [dreg:s7], $0x5FFFF  }
0xac: {  	[dreg:$0x1] =	wrdreg $0xFFFFFFFF  }
0xad: {  	[dreg:$0x0] =	wrdreg $0x60  }
0xae: {  	[dreg:$0x2] =	wrdreg s24  }
0xaf: {  	[dreg:$0x3] =	wrdreg s2  }
0xb0: {  	[dreg:$0x4] =	wrdreg $0xDC000  }
0xb1: {  	[dreg:$0x5] =	wrdreg $0x9  }
0xb2: {  	_ =	task.clear_ibuf [dreg:s7], $0x6FFFF;
	_ =	strace $0x90000046  }
0xb3: {  	s29 =	simm.s32 $0x9;
	_ =	strace $0x80000048  }
0xb4: {  	_ =	swait.ge [sflag:s29], $0x1  }
0xb5: {  	[sflag:s29] =	ssyncadd.s32 $0xFFFFFFFF  }
0xb6: {  	_ =	strace $0x90000048  }
0xb7: {  	_ =	sfence  }
0xb8: {  	s30 =	sld [smem:$0x0];
	_ =	sdelay $0x2  }
0xb9: {  	s31 =	sshll.u32 s1, $0xD;
	s1 =	sshrl.u32 s1, $0x2  }
0xba: {  	s3 =	sand.u32 $0x4000, s31;
	s1 =	sadd.s32 s1, s30  }
0xbb: {  	s0 =	sor.u32 s3, s0;
	s1 =	sshll.u32 s1, $0x11  }
0xbc: {  	s0 =	sor.u32 s1, s0  }
0xbd: {  	s0 =	sadd.s32 $0x8F2B, s0  }
0xbe: {  	[sflag:s0] =	ssyncadd.remote.s32 $0x1  }
0xbf: {  	_ =	sfence.sel $0xFFFF  }
0xc0: {  	[dreg:$0x0] =	wrdreg $0xFFFFFFFF;
	(pc) =	sbr.abs _section_cstart, $3  }
0xc1: {  	[dreg:$0x1] =	wrdreg $0xFFFFFFFF  }
0xc2: {  	_ =	task.clear_ibuf [dreg:s7], $0x2FFFF;
	_ =	strace $0x9FFFFFFF  }
0xc3: {  	(tm) =	ssettm $0x7FFFFFFF  }
tec
execute0_lowered:
.L_overlay_start_1:
0x0: {  	(tag) =	ssettag $0x1  }
0x1: {  	s3 =	rddreg [dreg:$0x0]  }
0x2: {  	s0 =	srdreg.scid;
	s6 =	rddreg [dreg:$0x1]  }
0x3: {  	s8 =	stileid.u32;
	s1 =	rddreg [dreg:$0x2];
	s2 =	simm.s32 $0x0  }
0x4: {  	s4 =	sand.u32 $0x1, s0;
	s29 =	sshll.u32 s8, $0x1;
	s0 =	rddreg [dreg:$0x3]  }
0x5: {  	[smem:$0x7FF] =	sst s2;
	s30 =	smul.u32 $0x19000, s8;
	s5 =	sor.u32 s4, s29  }
0x6: {  	p0 =	sne.s32 s8, $0x0;
	s9 =	ssub.s32 $0x2, s4;
	s7 =	smul.u32 $0x28, s5  }
0x7: {  	_ =	strace $0x80000047;
	s11 =	smul.u32 $0xC800, s4;
	s8 =	sshrl.u32 @!p0 s1, $0x3  }
0x8: {  	s5 =	smul.u32 $0x280, s5;
	s10 =	sshrl.u32 s9, $0x1;
	s7 =	ssub.s32 $0x4E2, s7  }
0x9: {  	s31 =	sadd.s32 s30, s6;
	s9 =	ssub.s32 s9, s10;
	s7 =	smin.u32 s7, $0x28  }
0xa: {  	s10 =	simm.s32 $0x0;
	s5 =	sadd.s32 s5, s3;
	s7 =	smul.u32 $0x34, s7  }
0xb: {  	s3 =	sadd.s32 $0x5A00, s3;
	s6 =	smax.u32 s9, $0x1;
	s9 =	simm.s32 $0x2  }
0xc: {  	s5 =	sadd.s32 $0xA00, s5;
	s4 =	sshrl.u32 s7, $0x8;
	s7 =	sadd.s32 s11, s31  }
.LBB2_1:
0xd: {  	s11 =	simm.s32 @!p0 $0x1C02  }
0xe: {  	[spmem:s8], [sflag:s11] =	dma.local @!p0 [hbm:s3], $0x800  }
0xf: {  	s11 =	simm.s32 @!p0 $0x2  }
0x10: {  	_ =	swait.ge @!p0 [sflag:s11], $0x800  }
0x11: {  	[sflag:s11] =	ssyncset.done @!p0 $0x0  }
0x12: {  	[sflag:s11] =	ssyncadd.s32 @!p0 $0xFFFFF800  }
0x13: {  	[tilespmem:s2], [sflag:$0x2] =	stream.linear.gather [hbm4b:s5+s2], $0x1400, $0x38;
	[tilespmem:$0xE000] =	vst v63  }
0x14: {  	_ =	swait.ge [sflag:s9], $0x1400  }
0x15: {  	p2 =	sle.u32 s4, $0x0;
	[sflag:s9] =	ssyncset.done $0x0  }
0x16: {  	s12 =	simm.s32 @!p2 $0x50;
	[sflag:s9] =	ssyncadd.s32 $0xFFFFEC00  }
0x17: {  	s13 =	simm.s32 @!p2 $0x1400;
	s11 =	simm.s32 @!p2 $0x0;
	[bflag:$0x0] =	sbarrier.arrive $0xFFFF  }
0x18: {  	[tilespmem:s13], [sflag:$0x1] =	stream.indirect.gather @!p2 [spmem:s1], $0x80, s11, s12, $0xb8;
	[tilespmem:$0xE000] =	vst v63  }
0x19: {  	s14 =	simm.s32 @!p2 $0x3C00;
	s11 =	simm.s32 @!p2 $0x80  }
0x1a: {  	[tilespmem:s14], [sflag:$0x1] =	stream.indirect.gather @!p2 [spmem:s1], $0x80, s11, s12, $0xb8;
	[tilespmem:$0xE000] =	vst v63  }
0x1b: {  	s11 =	simm.s32 @!p2 $0x100;
	s14 =	simm.s32 @!p2 $0x6400  }
0x1c: {  	[tilespmem:s14], [sflag:$0x1] =	stream.indirect.gather @!p2 [spmem:s1], $0x80, s11, s12, $0xb8;
	[tilespmem:$0xE000] =	vst v63  }
0x1d: {  	p1 =	por p2, p2;
	s11 =	simm.s32 @!p2 $0x180;
	s14 =	simm.s32 @!p2 $0x8C00  }
0x1e: {  	[tilespmem:s14], [sflag:$0x1] =	stream.indirect.gather @!p1 [spmem:s1], $0x80, s11, s12, $0xb8;
	[tilespmem:$0xE000] =	vst v63  }
0x1f: {  	s15 =	simm.s32 @!p1 $0x1;
	s11 =	simm.s32 @!p2 $0x200;
	s14 =	simm.s32 @!p1 $0xB400  }
0x20: {  	[tilespmem:s14], [sflag:$0x1] =	stream.indirect.gather @!p1 [spmem:s1], $0x80, s11, s12, $0xb8;
	[tilespmem:$0xE000] =	vst v63  }
0x21: {  	_ =	swait.ge @!p1 [sflag:s15], $0x2800  }
0x22: {  	[sflag:s15] =	ssyncset.done @!p1 $0x0  }
0x23: {  	[sflag:s15] =	ssyncadd.s32 @!p1 $0xFFFFD800  }
0x24: {  	_ =	swait.ge @!p1 [sflag:s15], $0x2800  }
0x25: {  	[sflag:s15] =	ssyncset.done @!p1 $0x0  }
0x26: {  	[sflag:s15] =	ssyncadd.s32 @!p1 $0xFFFFD800  }
0x27: {  	_ =	swait.ge @!p1 [sflag:s15], $0x2800  }
0x28: {  	[sflag:s15] =	ssyncset.done @!p1 $0x0  }
0x29: {  	[sflag:s15] =	ssyncadd.s32 @!p1 $0xFFFFD800  }
0x2a: {  	_ =	swait.ge @!p1 [sflag:s15], $0x2800  }
0x2b: {  	[sflag:s15] =	ssyncset.done @!p1 $0x0  }
0x2c: {  	[sflag:s15] =	ssyncadd.s32 @!p1 $0xFFFFD800  }
0x2d: {  	p2 =	sle.u32 s4, $0x1;
	_ =	swait.ge @!p1 [sflag:s15], $0x2800  }
0x2e: {  	s12 =	simm.s32 $0xA00;
	s11 =	simm.s32 @!p1 $0x0;
	[sflag:s15] =	ssyncset.done @!p1 $0x0  }
0x2f: {  	s14 =	simm.s32 $0x1;
	[sflag:s15] =	ssyncadd.s32 @!p1 $0xFFFFD800;
	s15 =	simm.s32 @!p1 $0x2  }
0x30: {  	[hbm4b:s7+s11] =	stream.linear.scatter @!p1 [tilespmem:s13], [sflag:$0x2], $0xC800, $0x38;
	[tilespmem:$0xE000] =	vst v63  }
0x31: {  	s13 =	simm.s32 $0x1400;
	s11 =	sadd.s32 $0x1900, s7;
	_ =	swait.ge @!p1 [sflag:s15], $0xC800  }
.LBB2_2:
0x32: {  	s16 =	sshra.s32 @!p2 s12, $0x2  }
0x33: {  	s17 =	simm.s32 @!p2 $0x50;
	[sflag:s15] =	ssyncset.done @!p1 $0x0;
	s12 =	smov.u32 s13  }
0x34: {  	s18 =	simm.s32 @!p2 $0x1400;
	s19 =	sadd.s32 @!p2 $0x80, s16;
	[sflag:s15] =	ssyncadd.s32 @!p1 $0xFFFF3800  }
0x35: {  	[tilespmem:s18], [sflag:$0x1] =	stream.indirect.gather @!p2 [spmem:s1], $0x80, s16, s17, $0xb8;
	[tilespmem:$0xE000] =	vst v63  }
0x36: {  	s15 =	simm.s32 @!p2 $0x3C00;
	s20 =	sadd.s32 @!p2 $0x100, s16;
	s21 =	sadd.s32 @!p2 $0x180, s16  }
0x37: {  	[tilespmem:s15], [sflag:$0x1] =	stream.indirect.gather @!p2 [spmem:s1], $0x80, s19, s17, $0xb8;
	[tilespmem:$0xE000] =	vst v63  }
0x38: {  	s13 =	sadd.s32 $0xA00, s13;
	s16 =	sadd.s32 @!p2 $0x200, s16;
	s15 =	simm.s32 @!p2 $0x6400  }
0x39: {  	[tilespmem:s15], [sflag:$0x1] =	stream.indirect.gather @!p2 [spmem:s1], $0x80, s20, s17, $0xb8;
	[tilespmem:$0xE000] =	vst v63  }
0x3a: {  	p3 =	sne.s32 s13, $0x5000;
	p1 =	por p2, p2;
	s15 =	simm.s32 @!p2 $0x8C00  }
0x3b: {  	[tilespmem:s15], [sflag:$0x1] =	stream.indirect.gather @!p1 [spmem:s1], $0x80, s21, s17, $0xb8;
	[tilespmem:$0xE000] =	vst v63  }
0x3c: {  	s19 =	simm.s32 @!p1 $0x1;
	s15 =	simm.s32 @!p1 $0xB400  }
0x3d: {  	[tilespmem:s15], [sflag:$0x1] =	stream.indirect.gather @!p1 [spmem:s1], $0x80, s16, s17, $0xb8;
	[tilespmem:$0xE000] =	vst v63  }
0x3e: {  	_ =	swait.ge @!p1 [sflag:s19], $0x2800  }
0x3f: {  	[sflag:s19] =	ssyncset.done @!p1 $0x0  }
0x40: {  	[sflag:s19] =	ssyncadd.s32 @!p1 $0xFFFFD800  }
0x41: {  	_ =	swait.ge @!p1 [sflag:s19], $0x2800  }
0x42: {  	[sflag:s19] =	ssyncset.done @!p1 $0x0  }
0x43: {  	[sflag:s19] =	ssyncadd.s32 @!p1 $0xFFFFD800  }
0x44: {  	_ =	swait.ge @!p1 [sflag:s19], $0x2800  }
0x45: {  	[sflag:s19] =	ssyncset.done @!p1 $0x0  }
0x46: {  	[sflag:s19] =	ssyncadd.s32 @!p1 $0xFFFFD800  }
0x47: {  	_ =	swait.ge @!p1 [sflag:s19], $0x2800  }
0x48: {  	[sflag:s19] =	ssyncset.done @!p1 $0x0  }
0x49: {  	[sflag:s19] =	ssyncadd.s32 @!p1 $0xFFFFD800  }
.Ltmp0:
0x4a: {  	_ =	swait.ge @!p1 [sflag:s19], $0x2800;
	(pc) =	sbr.rel @p3 .LBB2_2-.Ltmp0, $4  }
0x4b: {  	s14 =	sadd.s32 $0x1, s14;
	[sflag:s19] =	ssyncset.done @!p1 $0x0  }
0x4c: {  	s16 =	simm.s32 @!p1 $0x0;
	s15 =	simm.s32 @!p1 $0x2;
	[sflag:s19] =	ssyncadd.s32 @!p1 $0xFFFFD800  }
0x4d: {  	[hbm4b:s11+s16] =	stream.linear.scatter @!p1 [tilespmem:s18], [sflag:$0x2], $0xC800, $0x38;
	[tilespmem:$0xE000] =	vst v63  }
0x4e: {  	p2 =	sge.u32 s14, s4;
	s11 =	sadd.s32 $0x1900, s11;
	_ =	swait.ge @!p1 [sflag:s15], $0xC800  }
0x4f: {  	s12 =	sshra.s32 @!p2 s12, $0x2;
	[sflag:s15] =	ssyncset.done @!p1 $0x0  }
0x50: {  	s13 =	simm.s32 @!p2 $0x50;
	s14 =	simm.s32 @!p2 $0x1400;
	[sflag:s15] =	ssyncadd.s32 @!p1 $0xFFFF3800  }
0x51: {  	[tilespmem:s14], [sflag:$0x1] =	stream.indirect.gather @!p2 [spmem:s1], $0x80, s12, s13, $0xb8;
	[tilespmem:$0xE000] =	vst v63  }
0x52: {  	s16 =	simm.s32 @!p2 $0x3C00;
	s15 =	sadd.s32 @!p2 $0x80, s12  }
0x53: {  	[tilespmem:s16], [sflag:$0x1] =	stream.indirect.gather @!p2 [spmem:s1], $0x80, s15, s13, $0xb8;
	[tilespmem:$0xE000] =	vst v63  }
0x54: {  	s15 =	sadd.s32 @!p2 $0x100, s12;
	s16 =	simm.s32 @!p2 $0x6400  }
0x55: {  	[tilespmem:s16], [sflag:$0x1] =	stream.indirect.gather @!p2 [spmem:s1], $0x80, s15, s13, $0xb8;
	[tilespmem:$0xE000] =	vst v63  }
0x56: {  	p1 =	por p2, p2;
	s15 =	sadd.s32 @!p2 $0x180, s12;
	s16 =	simm.s32 @!p2 $0x8C00  }
0x57: {  	[tilespmem:s16], [sflag:$0x1] =	stream.indirect.gather @!p1 [spmem:s1], $0x80, s15, s13, $0xb8;
	[tilespmem:$0xE000] =	vst v63  }
0x58: {  	s12 =	sadd.s32 @!p2 $0x200, s12;
	s15 =	simm.s32 @!p1 $0xB400;
	s16 =	simm.s32 @!p1 $0x1  }
0x59: {  	[tilespmem:s15], [sflag:$0x1] =	stream.indirect.gather @!p1 [spmem:s1], $0x80, s12, s13, $0xb8;
	[tilespmem:$0xE000] =	vst v63  }
0x5a: {  	_ =	swait.ge @!p1 [sflag:s16], $0x2800  }
0x5b: {  	[sflag:s16] =	ssyncset.done @!p1 $0x0  }
0x5c: {  	[sflag:s16] =	ssyncadd.s32 @!p1 $0xFFFFD800  }
0x5d: {  	_ =	swait.ge @!p1 [sflag:s16], $0x2800  }
0x5e: {  	[sflag:s16] =	ssyncset.done @!p1 $0x0  }
0x5f: {  	[sflag:s16] =	ssyncadd.s32 @!p1 $0xFFFFD800  }
0x60: {  	_ =	swait.ge @!p1 [sflag:s16], $0x2800  }
0x61: {  	[sflag:s16] =	ssyncset.done @!p1 $0x0  }
0x62: {  	[sflag:s16] =	ssyncadd.s32 @!p1 $0xFFFFD800  }
0x63: {  	_ =	swait.ge @!p1 [sflag:s16], $0x2800  }
0x64: {  	[sflag:s16] =	ssyncset.done @!p1 $0x0  }
0x65: {  	[sflag:s16] =	ssyncadd.s32 @!p1 $0xFFFFD800  }
0x66: {  	s10 =	sadd.s32 $0x1, s10;
	_ =	swait.ge @!p1 [sflag:s16], $0x2800  }
0x67: {  	p2 =	sne.s32 s10, s6;
	s12 =	simm.s32 @!p1 $0x0;
	[sflag:s16] =	ssyncset.done @!p1 $0x0  }
.Ltmp1:
0x68: {  	s13 =	simm.s32 @!p1 $0x2;
	[sflag:s16] =	ssyncadd.s32 @!p1 $0xFFFFD800;
	(pc) =	sbr.rel @p2 .LBB2_1-.Ltmp1, $4  }
0x69: {  	[hbm4b:s11+s12] =	stream.linear.scatter @!p1 [tilespmem:s14], [sflag:$0x2], $0xC800, $0x38;
	[tilespmem:$0xE000] =	vst v63  }
0x6a: {  	_ =	swait.ge @!p1 [sflag:s13], $0xC800  }
0x6b: {  	[sflag:s13] =	ssyncset.done @!p1 $0x0  }
0x6c: {  	[sflag:s13] =	ssyncadd.s32 @!p1 $0xFFFF3800  }
0x6d: {  	_ =	sfence.sel $0x180000  }
0x6e: {  	[bflag:$0x0] =	sbarrier.arrive $0xFFFF  }
0x6f: {  	_ =	strace $0x90000047  }
0x70: {  	s0 =	sadd.s32 @!p0 $0x100000, s0;
	[bflag:$0x2] =	sbarrier.arrive $0xFFFF  }
0x71: {  	[sflag:s0] =	ssyncadd.tile.s32 @!p0 $0x1;
	_ =	shalt  }
.Lfunc_end2:
_tile_overlayer_lowered:
.L_overlay_start_2:
0x72: {  	(tag) =	ssettag $0x2  }
0x73: {  	s0 =	rddreg [dreg:$0x0];
	s2 =	stileid.u32  }
0x74: {  	s1 =	rddreg [dreg:$0x1];
	p0 =	sne.s32 s2, $0x0  }
0x75: {  	s3 =	rddreg [dreg:$0x2];
	[bflag:$0x3] =	sbarrier.arrive $0xFFFF;
	s2 =	simm.s32 @!p0 $0x1C02  }
0x76: {  	[timem:s3], [sflag:s2] =	dma.local @!p0 [hbm:s0], s1  }
0x77: {  	s0 =	simm.s32 @!p0 $0x2  }
0x78: {  	_ =	swait.ge @!p0 [sflag:s0], s1  }
0x79: {  	s1 =	ssub.s32 @!p0 $0x0, s1;
	[sflag:s0] =	ssyncset.done @!p0 $0x0  }
0x7a: {  	[sflag:s0] =	ssyncadd.s32 @!p0 s1  }
0x7b: {  	[bflag:$0x3] =	sbarrier.arrive $0xFFFF  }
0x7c: {  	_ =	shalt  }

</sc_bundles>
